<compile_context>
chip_gen: v7x
topology: tpu7x:2x2x1
jax: 0.10.2.dev20260603
libtpu: 0.0.44.dev20260713+nightly
codegen_flags: <defaults>
</compile_context>

<pallas_src>
import jax
import jax.numpy as jnp
import numpy as np
from jax.experimental import pallas as pl
from jax.experimental.pallas import tpu as pltpu

_KS = (3, 5, 5, 5, 3, 7, 8, 3, 3, 3)
_OFFS = tuple(int(o) for o in np.concatenate([[0], np.cumsum(_KS)[:-1]]))
_KTOT = int(sum(_KS))
_ROWS_PER_BLOCK = 4096


def _vq_body(x_ref, gt_ref, adjct_ref, rel_ref, pt_ref, b2_ref,
             o0_ref, o1_ref):
    x = x_ref[...]
    xt = x.T.astype(jnp.bfloat16)
    st = jax.lax.dot_general(
        gt_ref[...], xt, (((1,), (0,)), ((), ())),
        preferred_element_type=jnp.float32,
    )
    adjt = adjct_ref[...] - 2.0 * st
    b = jax.lax.bitcast_convert_type(adjt, jnp.int32)
    key = b ^ ((b >> 31) & jnp.int32(0x7FFFFFFF))
    key = (key & jnp.int32(-8)) | rel_ref[...]
    ohs = []
    for i in range(10):
        o, k = _OFFS[i], _KS[i]
        blk = key[o:o + k, :]
        m = jnp.min(blk, axis=0, keepdims=True)
        ohs.append((blk == m).astype(jnp.bfloat16))
    oht = jnp.concatenate(ohs, axis=0)
    qt = jax.lax.dot_general(
        pt_ref[...], oht, (((1,), (0,)), ((), ())),
        preferred_element_type=jnp.float32,
    )
    q = qt.T + b2_ref[...]
    o0_ref[...] = q
    d = x - q
    dsq = (d * d).astype(jnp.bfloat16)
    ones = jnp.ones((64, 1), dtype=jnp.bfloat16)
    o1_ref[...] = jax.lax.dot_general(
        dsq, ones, (((1,), (0,)), ((), ())),
        preferred_element_type=jnp.float32,
    )


def kernel(x0, W1, b1, cb0, cb1, cb2, cb3, cb4, cb5, cb6, cb7, cb8, cb9,
           W2, b2):
    cbs = (cb0, cb1, cb2, cb3, cb4, cb5, cb6, cb7, cb8, cb9)
    B0, B1, V = x0.shape
    n = B0 * B1
    x = x0.reshape(n, V)

    g_cols, sb_parts, cbn_parts, p_rows = [], [], [], []
    for i, cb in enumerate(cbs):
        c = cb[0]
        w1s = W1[16 * i:16 * (i + 1), :]
        g_cols.append(w1s.T @ c.T)
        sb_parts.append(c @ b1[16 * i:16 * (i + 1)])
        cbn_parts.append(jnp.sum(c * c, axis=1))
        p_rows.append(c @ W2[:, i::10].T)
    Gt = jnp.concatenate(g_cols, axis=1).T.astype(jnp.bfloat16)
    adjct = (jnp.concatenate(cbn_parts)
             - 2.0 * jnp.concatenate(sb_parts))[:, None]
    rel = np.concatenate([np.arange(k, dtype=np.int32) for k in _KS])[:, None]
    Pt = jnp.concatenate(p_rows, axis=0).T.astype(jnp.bfloat16)
    b2r = b2[None, :]

    R = _ROWS_PER_BLOCK
    grid = (n // R,)
    out0, out1 = pl.pallas_call(
        _vq_body,
        grid=grid,
        in_specs=[
            pl.BlockSpec((R, V), lambda i: (i, 0)),
            pl.BlockSpec((_KTOT, V), lambda i: (0, 0)),
            pl.BlockSpec((_KTOT, 1), lambda i: (0, 0)),
            pl.BlockSpec((_KTOT, 1), lambda i: (0, 0)),
            pl.BlockSpec((V, _KTOT), lambda i: (0, 0)),
            pl.BlockSpec((1, V), lambda i: (0, 0)),
        ],
        out_specs=[
            pl.BlockSpec((R, V), lambda i: (i, 0)),
            pl.BlockSpec((R, 1), lambda i: (i, 0)),
        ],
        out_shape=[
            jax.ShapeDtypeStruct((n, V), jnp.float32),
            jax.ShapeDtypeStruct((n, 1), jnp.float32),
        ],
        compiler_params=pltpu.CompilerParams(
            dimension_semantics=("arbitrary",),
        ),
    )(x, Gt, adjct, jnp.asarray(rel), Pt, b2r)

    out0 = out0.reshape(B0, B1, V)
    out1 = out1.reshape(B0, B1)
    entropy = jnp.asarray(0.0, dtype=jnp.float32)
    return (out0, out1, out1, entropy)

# --- scband reference (transcript-rebuilt; emitter-appended) ---
"""Pipeline reference for scband-vector-quant-90847148245737 (READ-ONLY COPY).

The authoritative reference and input builder live on the scoring server;
editing this copy changes nothing except your own understanding.
"""

import jax, jax.numpy as jnp
import numpy as np

VEC_LEN = 64
KS = [3, 5, 5, 5, 3, 7, 8, 3, 3, 3]


def setup_inputs(seed: int = 0):
    key = jax.random.key(seed)
    ks = jax.random.split(key, 20)
    inp = {}
    inp["x0"] = jax.random.normal(ks[0], (32, 8192, VEC_LEN), dtype=jnp.float32)
    inp["W1"] = jax.random.uniform(ks[1], (160, VEC_LEN), minval=-1.0, maxval=1.0, dtype=jnp.float32) / np.sqrt(VEC_LEN)
    inp["b1"] = jax.random.uniform(ks[2], (160,), minval=-1.0, maxval=1.0, dtype=jnp.float32) / np.sqrt(VEC_LEN)
    for i, k in enumerate(KS):
        inp["cb%d" % i] = jax.random.normal(ks[3 + i], (1, k, 16), dtype=jnp.float32) * 0.001
    inp["W2"] = jax.random.uniform(ks[13], (VEC_LEN, 160), minval=-1.0, maxval=1.0, dtype=jnp.float32) / np.sqrt(160.0)
    inp["b2"] = jax.random.uniform(ks[14], (VEC_LEN,), minval=-1.0, maxval=1.0, dtype=jnp.float32) / np.sqrt(160.0)
    return inp


def _forward(x0, W1, b1, cbs, W2, b2):
    # normalize=False branch: x = x0, embedding unused by get_arff_embedding
    x = x0
    B = x.shape[0] * x.shape[1]
    x1 = x.reshape(B, x.shape[2])
    # chunked loop in torch (split(64)) is row-independent -> vectorized here (same math)
    h = x1 @ W1.T + b1                      # embedding2arff: (B, 160)
    a_all = h[:, None, :]                   # unsqueeze(1): (B, 1, 160)
    parts = []
    for i, cb in enumerate(cbs):            # cb: (1, K_i, 16)
        a = a_all[:, :, 16 * i:16 * (i + 1)]    # (B, 1, 16)
        diff = a - cb                            # (B, K_i, 16)
        dist = jnp.sqrt(jnp.sum(diff * diff, axis=2))  # .norm(dim=2): (B, K_i)
        c = jnp.argmin(dist, axis=1)             # (B,)
        d = cb[:, c, :]                          # index_select(dim=1): (1, B, 16)
        parts.append(d)
    c_arff = jnp.stack(parts, axis=-1)            # (1, B, 16, 10)
    c_arff = c_arff.reshape(c_arff.shape[0] * c_arff.shape[1], c_arff.shape[2] * c_arff.shape[3])  # (B, 160)
    out_flat = c_arff @ W2.T + b2                 # arff2embedding: (B, vec_len)
    output = out_flat.reshape(x.shape)
    sg = jax.lax.stop_gradient
    out0 = sg(output - x) + x
    # .norm(dim=-1).pow(2) == sum of squares (same forward value, stable backward)
    out1 = jnp.sum((sg(x) - output) ** 2, axis=-1)
    out2 = jnp.sum((x - sg(output)) ** 2, axis=-1) + jnp.sum((x - x0) ** 2, axis=-1)
    return out0, out1, out2


def reference(x0, W1, b1, cb0, cb1, cb2, cb3, cb4, cb5, cb6, cb7, cb8, cb9, W2, b2):
    cbs = [cb0, cb1, cb2, cb3, cb4, cb5, cb6, cb7, cb8, cb9]
    out0, out1, out2 = _forward(x0, W1, b1, cbs, W2, b2)
    entropy = jnp.asarray(0.0, dtype=jnp.float32)
    return (out0, out1, out2, entropy)

if __name__ == "__main__":
    import jax
    _d = setup_inputs()
    print(jax.jit(kernel)(*tuple(_d.values())))

</pallas_src>

<mosaic_0001>
module attributes {stable_mosaic.version = 14 : i64} {
  func.func @_vq_body(%arg0: i32, %arg1: memref<4096x64xf32, #tpu.memory_space<vmem>>, %arg2: memref<45x64xbf16, #tpu.memory_space<vmem>>, %arg3: memref<45x1xf32, #tpu.memory_space<vmem>>, %arg4: memref<45x1xi32, #tpu.memory_space<vmem>>, %arg5: memref<64x45xbf16, #tpu.memory_space<vmem>>, %arg6: memref<1x64xf32, #tpu.memory_space<vmem>>, %arg7: memref<4096x64xf32, #tpu.memory_space<vmem>>, %arg8: memref<4096x1xf32, #tpu.memory_space<vmem>>) attributes {dimension_semantics = [#tpu.dimension_semantics<arbitrary>], iteration_bounds = array<i64: 64>, scalar_prefetch = 0 : i64, scratch_operands = 0 : i64, tpu.core_type = #tpu.core_type<tc>, window_params = [{transform_indices = @transform_0, window_bounds = array<i64: 4096, 64>}, {pipeline_mode = #tpu.pipeline_mode<synchronous>, transform_indices = @transform_1, window_bounds = array<i64: 45, 64>}, {pipeline_mode = #tpu.pipeline_mode<synchronous>, transform_indices = @transform_2, window_bounds = array<i64: 45, 1>}, {pipeline_mode = #tpu.pipeline_mode<synchronous>, transform_indices = @transform_3, window_bounds = array<i64: 45, 1>}, {pipeline_mode = #tpu.pipeline_mode<synchronous>, transform_indices = @transform_4, window_bounds = array<i64: 64, 45>}, {pipeline_mode = #tpu.pipeline_mode<synchronous>, transform_indices = @transform_5, window_bounds = array<i64: 1, 64>}, {transform_indices = @transform_6, window_bounds = array<i64: 4096, 64>}, {transform_indices = @transform_7, window_bounds = array<i64: 4096, 1>}]} {
    %get3A = arith.constant 0 : index
    %get3A_0 = arith.constant 0 : index
    %get3A_1 = vector.load %arg1[%get3A, %get3A_0] : memref<4096x64xf32, #tpu.memory_space<vmem>>, vector<4096x64xf32>
    %transpose3A = tpu.transpose %get3A_1, [1, 0] : vector<4096x64xf32> -> vector<64x4096xf32>
    %convert_element_type3A = arith.truncf %transpose3A : vector<64x4096xf32> to vector<64x4096xbf16>
    %get3A_2 = arith.constant 0 : index
    %get3A_3 = arith.constant 0 : index
    %get3A_4 = vector.load %arg2[%get3A_2, %get3A_3] : memref<45x64xbf16, #tpu.memory_space<vmem>>, vector<45x64xbf16>
    %dot_general3A = arith.constant dense<0.000000e+00> : vector<45x4096xf32>
    %dot_general3A_5 = tpu.matmul %get3A_4, %convert_element_type3A, %dot_general3A {dimension_numbers = #tpu.dot_dimension_numbers<[1], [0], [0], [1], [0, 0, 1, 1], [], []>, transpose_lhs_hint = false} : vector<45x64xbf16>, vector<64x4096xbf16>, vector<45x4096xf32> -> vector<45x4096xf32>
    %get3A_6 = arith.constant 0 : index
    %get3A_7 = arith.constant 0 : index
    %get3A_8 = vector.load %arg3[%get3A_6, %get3A_7] : memref<45x1xf32, #tpu.memory_space<vmem>>, vector<45x1xf32>
    %mul3A = arith.constant 2.000000e+00 : f32
    %mul3A_9 = vector.broadcast %mul3A : f32 to vector<45x4096xf32>
    %mul3A_10 = arith.mulf %mul3A_9, %dot_general3A_5 : vector<45x4096xf32>
    %sub3A = vector.broadcast %get3A_8 : vector<45x1xf32> to vector<45x4096xf32>
    %sub3A_11 = arith.subf %sub3A, %mul3A_10 : vector<45x4096xf32>
    %bitcast_convert_type3A = tpu.bitcast %sub3A_11 : vector<45x4096xf32> -> vector<45x4096xi32>
    %shift_right_arithmetic3A = arith.constant 31 : i32
    %shift_right_arithmetic3A_12 = vector.broadcast %shift_right_arithmetic3A : i32 to vector<45x4096xi32>
    %shift_right_arithmetic3A_13 = arith.shrsi %bitcast_convert_type3A, %shift_right_arithmetic3A_12 : vector<45x4096xi32>
    %and3A = arith.constant 2147483647 : i32
    %and3A_14 = vector.broadcast %and3A : i32 to vector<45x4096xi32>
    %and3A_15 = arith.andi %shift_right_arithmetic3A_13, %and3A_14 : vector<45x4096xi32>
    %xor3A = arith.xori %bitcast_convert_type3A, %and3A_15 : vector<45x4096xi32>
    %and3A_16 = arith.constant -8 : i32
    %and3A_17 = vector.broadcast %and3A_16 : i32 to vector<45x4096xi32>
    %and3A_18 = arith.andi %xor3A, %and3A_17 : vector<45x4096xi32>
    %get3A_19 = arith.constant 0 : index
    %get3A_20 = arith.constant 0 : index
    %get3A_21 = vector.load %arg4[%get3A_19, %get3A_20] : memref<45x1xi32, #tpu.memory_space<vmem>>, vector<45x1xi32>
    %or3A = vector.broadcast %get3A_21 : vector<45x1xi32> to vector<45x4096xi32>
    %or3A_22 = arith.ori %and3A_18, %or3A : vector<45x4096xi32>
    %slice3A = vector.extract_strided_slice %or3A_22 {offsets = [0, 0], sizes = [3, 4096], strides = [1, 1]} : vector<45x4096xi32> to vector<3x4096xi32>
    %reduce_min3A = arith.constant dense<2147483647> : vector<4096xi32>
    %reduce_min3A_23 = vector.multi_reduction <minsi>, %slice3A, %reduce_min3A [0] : vector<3x4096xi32> to vector<4096xi32>
    %broadcast_in_dim3A = vector.shape_cast %reduce_min3A_23 : vector<4096xi32> to vector<1x4096xi32>
    %eq3A = vector.broadcast %broadcast_in_dim3A : vector<1x4096xi32> to vector<3x4096xi32>
    %eq3A_24 = arith.cmpi eq, %slice3A, %eq3A : vector<3x4096xi32>
    %convert_element_type3A_25 = arith.extui %eq3A_24 : vector<3x4096xi1> to vector<3x4096xi32>
    %convert_element_type3A_26 = arith.sitofp %convert_element_type3A_25 : vector<3x4096xi32> to vector<3x4096xf32>
    %convert_element_type3A_27 = arith.truncf %convert_element_type3A_26 : vector<3x4096xf32> to vector<3x4096xbf16>
    %slice3A_28 = vector.extract_strided_slice %or3A_22 {offsets = [3, 0], sizes = [5, 4096], strides = [1, 1]} : vector<45x4096xi32> to vector<5x4096xi32>
    %reduce_min3A_29 = arith.constant dense<2147483647> : vector<4096xi32>
    %reduce_min3A_30 = vector.multi_reduction <minsi>, %slice3A_28, %reduce_min3A_29 [0] : vector<5x4096xi32> to vector<4096xi32>
    %broadcast_in_dim3A_31 = vector.shape_cast %reduce_min3A_30 : vector<4096xi32> to vector<1x4096xi32>
    %eq3A_32 = vector.broadcast %broadcast_in_dim3A_31 : vector<1x4096xi32> to vector<5x4096xi32>
    %eq3A_33 = arith.cmpi eq, %slice3A_28, %eq3A_32 : vector<5x4096xi32>
    %convert_element_type3A_34 = arith.extui %eq3A_33 : vector<5x4096xi1> to vector<5x4096xi32>
    %convert_element_type3A_35 = arith.sitofp %convert_element_type3A_34 : vector<5x4096xi32> to vector<5x4096xf32>
    %convert_element_type3A_36 = arith.truncf %convert_element_type3A_35 : vector<5x4096xf32> to vector<5x4096xbf16>
    %slice3A_37 = vector.extract_strided_slice %or3A_22 {offsets = [8, 0], sizes = [5, 4096], strides = [1, 1]} : vector<45x4096xi32> to vector<5x4096xi32>
    %reduce_min3A_38 = arith.constant dense<2147483647> : vector<4096xi32>
    %reduce_min3A_39 = vector.multi_reduction <minsi>, %slice3A_37, %reduce_min3A_38 [0] : vector<5x4096xi32> to vector<4096xi32>
    %broadcast_in_dim3A_40 = vector.shape_cast %reduce_min3A_39 : vector<4096xi32> to vector<1x4096xi32>
    %eq3A_41 = vector.broadcast %broadcast_in_dim3A_40 : vector<1x4096xi32> to vector<5x4096xi32>
    %eq3A_42 = arith.cmpi eq, %slice3A_37, %eq3A_41 : vector<5x4096xi32>
    %convert_element_type3A_43 = arith.extui %eq3A_42 : vector<5x4096xi1> to vector<5x4096xi32>
    %convert_element_type3A_44 = arith.sitofp %convert_element_type3A_43 : vector<5x4096xi32> to vector<5x4096xf32>
    %convert_element_type3A_45 = arith.truncf %convert_element_type3A_44 : vector<5x4096xf32> to vector<5x4096xbf16>
    %slice3A_46 = vector.extract_strided_slice %or3A_22 {offsets = [13, 0], sizes = [5, 4096], strides = [1, 1]} : vector<45x4096xi32> to vector<5x4096xi32>
    %reduce_min3A_47 = arith.constant dense<2147483647> : vector<4096xi32>
    %reduce_min3A_48 = vector.multi_reduction <minsi>, %slice3A_46, %reduce_min3A_47 [0] : vector<5x4096xi32> to vector<4096xi32>
    %broadcast_in_dim3A_49 = vector.shape_cast %reduce_min3A_48 : vector<4096xi32> to vector<1x4096xi32>
    %eq3A_50 = vector.broadcast %broadcast_in_dim3A_49 : vector<1x4096xi32> to vector<5x4096xi32>
    %eq3A_51 = arith.cmpi eq, %slice3A_46, %eq3A_50 : vector<5x4096xi32>
    %convert_element_type3A_52 = arith.extui %eq3A_51 : vector<5x4096xi1> to vector<5x4096xi32>
    %convert_element_type3A_53 = arith.sitofp %convert_element_type3A_52 : vector<5x4096xi32> to vector<5x4096xf32>
    %convert_element_type3A_54 = arith.truncf %convert_element_type3A_53 : vector<5x4096xf32> to vector<5x4096xbf16>
    %slice3A_55 = vector.extract_strided_slice %or3A_22 {offsets = [18, 0], sizes = [3, 4096], strides = [1, 1]} : vector<45x4096xi32> to vector<3x4096xi32>
    %reduce_min3A_56 = arith.constant dense<2147483647> : vector<4096xi32>
    %reduce_min3A_57 = vector.multi_reduction <minsi>, %slice3A_55, %reduce_min3A_56 [0] : vector<3x4096xi32> to vector<4096xi32>
    %broadcast_in_dim3A_58 = vector.shape_cast %reduce_min3A_57 : vector<4096xi32> to vector<1x4096xi32>
    %eq3A_59 = vector.broadcast %broadcast_in_dim3A_58 : vector<1x4096xi32> to vector<3x4096xi32>
    %eq3A_60 = arith.cmpi eq, %slice3A_55, %eq3A_59 : vector<3x4096xi32>
    %convert_element_type3A_61 = arith.extui %eq3A_60 : vector<3x4096xi1> to vector<3x4096xi32>
    %convert_element_type3A_62 = arith.sitofp %convert_element_type3A_61 : vector<3x4096xi32> to vector<3x4096xf32>
    %convert_element_type3A_63 = arith.truncf %convert_element_type3A_62 : vector<3x4096xf32> to vector<3x4096xbf16>
    %slice3A_64 = vector.extract_strided_slice %or3A_22 {offsets = [21, 0], sizes = [7, 4096], strides = [1, 1]} : vector<45x4096xi32> to vector<7x4096xi32>
    %reduce_min3A_65 = arith.constant dense<2147483647> : vector<4096xi32>
    %reduce_min3A_66 = vector.multi_reduction <minsi>, %slice3A_64, %reduce_min3A_65 [0] : vector<7x4096xi32> to vector<4096xi32>
    %broadcast_in_dim3A_67 = vector.shape_cast %reduce_min3A_66 : vector<4096xi32> to vector<1x4096xi32>
    %eq3A_68 = vector.broadcast %broadcast_in_dim3A_67 : vector<1x4096xi32> to vector<7x4096xi32>
    %eq3A_69 = arith.cmpi eq, %slice3A_64, %eq3A_68 : vector<7x4096xi32>
    %convert_element_type3A_70 = arith.extui %eq3A_69 : vector<7x4096xi1> to vector<7x4096xi32>
    %convert_element_type3A_71 = arith.sitofp %convert_element_type3A_70 : vector<7x4096xi32> to vector<7x4096xf32>
    %convert_element_type3A_72 = arith.truncf %convert_element_type3A_71 : vector<7x4096xf32> to vector<7x4096xbf16>
    %slice3A_73 = vector.extract_strided_slice %or3A_22 {offsets = [28, 0], sizes = [8, 4096], strides = [1, 1]} : vector<45x4096xi32> to vector<8x4096xi32>
    %reduce_min3A_74 = arith.constant dense<2147483647> : vector<4096xi32>
    %reduce_min3A_75 = vector.multi_reduction <minsi>, %slice3A_73, %reduce_min3A_74 [0] : vector<8x4096xi32> to vector<4096xi32>
    %broadcast_in_dim3A_76 = vector.shape_cast %reduce_min3A_75 : vector<4096xi32> to vector<1x4096xi32>
    %eq3A_77 = vector.broadcast %broadcast_in_dim3A_76 : vector<1x4096xi32> to vector<8x4096xi32>
    %eq3A_78 = arith.cmpi eq, %slice3A_73, %eq3A_77 : vector<8x4096xi32>
    %convert_element_type3A_79 = arith.extui %eq3A_78 : vector<8x4096xi1> to vector<8x4096xi32>
    %convert_element_type3A_80 = arith.sitofp %convert_element_type3A_79 : vector<8x4096xi32> to vector<8x4096xf32>
    %convert_element_type3A_81 = arith.truncf %convert_element_type3A_80 : vector<8x4096xf32> to vector<8x4096xbf16>
    %slice3A_82 = vector.extract_strided_slice %or3A_22 {offsets = [36, 0], sizes = [3, 4096], strides = [1, 1]} : vector<45x4096xi32> to vector<3x4096xi32>
    %reduce_min3A_83 = arith.constant dense<2147483647> : vector<4096xi32>
    %reduce_min3A_84 = vector.multi_reduction <minsi>, %slice3A_82, %reduce_min3A_83 [0] : vector<3x4096xi32> to vector<4096xi32>
    %broadcast_in_dim3A_85 = vector.shape_cast %reduce_min3A_84 : vector<4096xi32> to vector<1x4096xi32>
    %eq3A_86 = vector.broadcast %broadcast_in_dim3A_85 : vector<1x4096xi32> to vector<3x4096xi32>
    %eq3A_87 = arith.cmpi eq, %slice3A_82, %eq3A_86 : vector<3x4096xi32>
    %convert_element_type3A_88 = arith.extui %eq3A_87 : vector<3x4096xi1> to vector<3x4096xi32>
    %convert_element_type3A_89 = arith.sitofp %convert_element_type3A_88 : vector<3x4096xi32> to vector<3x4096xf32>
    %convert_element_type3A_90 = arith.truncf %convert_element_type3A_89 : vector<3x4096xf32> to vector<3x4096xbf16>
    %slice3A_91 = vector.extract_strided_slice %or3A_22 {offsets = [39, 0], sizes = [3, 4096], strides = [1, 1]} : vector<45x4096xi32> to vector<3x4096xi32>
    %reduce_min3A_92 = arith.constant dense<2147483647> : vector<4096xi32>
    %reduce_min3A_93 = vector.multi_reduction <minsi>, %slice3A_91, %reduce_min3A_92 [0] : vector<3x4096xi32> to vector<4096xi32>
    %broadcast_in_dim3A_94 = vector.shape_cast %reduce_min3A_93 : vector<4096xi32> to vector<1x4096xi32>
    %eq3A_95 = vector.broadcast %broadcast_in_dim3A_94 : vector<1x4096xi32> to vector<3x4096xi32>
    %eq3A_96 = arith.cmpi eq, %slice3A_91, %eq3A_95 : vector<3x4096xi32>
    %convert_element_type3A_97 = arith.extui %eq3A_96 : vector<3x4096xi1> to vector<3x4096xi32>
    %convert_element_type3A_98 = arith.sitofp %convert_element_type3A_97 : vector<3x4096xi32> to vector<3x4096xf32>
    %convert_element_type3A_99 = arith.truncf %convert_element_type3A_98 : vector<3x4096xf32> to vector<3x4096xbf16>
    %slice3A_100 = vector.extract_strided_slice %or3A_22 {offsets = [42, 0], sizes = [3, 4096], strides = [1, 1]} : vector<45x4096xi32> to vector<3x4096xi32>
    %reduce_min3A_101 = arith.constant dense<2147483647> : vector<4096xi32>
    %reduce_min3A_102 = vector.multi_reduction <minsi>, %slice3A_100, %reduce_min3A_101 [0] : vector<3x4096xi32> to vector<4096xi32>
    %broadcast_in_dim3A_103 = vector.shape_cast %reduce_min3A_102 : vector<4096xi32> to vector<1x4096xi32>
    %eq3A_104 = vector.broadcast %broadcast_in_dim3A_103 : vector<1x4096xi32> to vector<3x4096xi32>
    %eq3A_105 = arith.cmpi eq, %slice3A_100, %eq3A_104 : vector<3x4096xi32>
    %convert_element_type3A_106 = arith.extui %eq3A_105 : vector<3x4096xi1> to vector<3x4096xi32>
    %convert_element_type3A_107 = arith.sitofp %convert_element_type3A_106 : vector<3x4096xi32> to vector<3x4096xf32>
    %convert_element_type3A_108 = arith.truncf %convert_element_type3A_107 : vector<3x4096xf32> to vector<3x4096xbf16>
    %concatenate3A = tpu.concatenate %convert_element_type3A_27, %convert_element_type3A_36, %convert_element_type3A_45, %convert_element_type3A_54, %convert_element_type3A_63, %convert_element_type3A_72, %convert_element_type3A_81, %convert_element_type3A_90, %convert_element_type3A_99, %convert_element_type3A_108 in 0 : vector<3x4096xbf16>, vector<5x4096xbf16>, vector<5x4096xbf16>, vector<5x4096xbf16>, vector<3x4096xbf16>, vector<7x4096xbf16>, vector<8x4096xbf16>, vector<3x4096xbf16>, vector<3x4096xbf16>, vector<3x4096xbf16> -> vector<45x4096xbf16>
    %get3A_109 = arith.constant 0 : index
    %get3A_110 = arith.constant 0 : index
    %get3A_111 = vector.load %arg5[%get3A_109, %get3A_110] : memref<64x45xbf16, #tpu.memory_space<vmem>>, vector<64x45xbf16>
    %dot_general3A_112 = arith.constant dense<0.000000e+00> : vector<64x4096xf32>
    %dot_general3A_113 = tpu.matmul %get3A_111, %concatenate3A, %dot_general3A_112 {dimension_numbers = #tpu.dot_dimension_numbers<[1], [0], [0], [1], [0, 0, 1, 1], [], []>, transpose_lhs_hint = false} : vector<64x45xbf16>, vector<45x4096xbf16>, vector<64x4096xf32> -> vector<64x4096xf32>
    %transpose3A_114 = tpu.transpose %dot_general3A_113, [1, 0] : vector<64x4096xf32> -> vector<4096x64xf32>
    %get3A_115 = arith.constant 0 : index
    %get3A_116 = arith.constant 0 : index
    %get3A_117 = vector.load %arg6[%get3A_115, %get3A_116] : memref<1x64xf32, #tpu.memory_space<vmem>>, vector<1x64xf32>
    %add3A = vector.broadcast %get3A_117 : vector<1x64xf32> to vector<4096x64xf32>
    %add3A_118 = arith.addf %transpose3A_114, %add3A : vector<4096x64xf32>
    %swap3A = arith.constant 0 : index
    %swap3A_119 = arith.constant 0 : index
    %swap3A_120 = vector.load %arg7[%swap3A, %swap3A_119] : memref<4096x64xf32, #tpu.memory_space<vmem>>, vector<4096x64xf32>
    tpu.vector_store %arg7[%swap3A, %swap3A_119], %add3A_118 {strides = array<i32>} : memref<4096x64xf32, #tpu.memory_space<vmem>>, vector<4096x64xf32>,
    %sub3A_121 = arith.subf %get3A_1, %add3A_118 : vector<4096x64xf32>
    %mul3A_122 = arith.mulf %sub3A_121, %sub3A_121 : vector<4096x64xf32>
    %convert_element_type3A_123 = arith.truncf %mul3A_122 : vector<4096x64xf32> to vector<4096x64xbf16>
    %broadcast_in_dim3A_124 = arith.constant 1.000000e+00 : bf16
    %broadcast_in_dim3A_125 = vector.broadcast %broadcast_in_dim3A_124 : bf16 to vector<64x1xbf16>
    %dot_general3A_126 = arith.constant dense<0.000000e+00> : vector<4096x1xf32>
    %dot_general3A_127 = tpu.matmul %convert_element_type3A_123, %broadcast_in_dim3A_125, %dot_general3A_126 {dimension_numbers = #tpu.dot_dimension_numbers<[1], [0], [0], [1], [0, 0, 1, 1], [], []>, transpose_lhs_hint = false} : vector<4096x64xbf16>, vector<64x1xbf16>, vector<4096x1xf32> -> vector<4096x1xf32>
    %swap3A_128 = arith.constant 0 : index
    %swap3A_129 = arith.constant 0 : index
    %swap3A_130 = vector.load %arg8[%swap3A_128, %swap3A_129] : memref<4096x1xf32, #tpu.memory_space<vmem>>, vector<4096x1xf32>
    tpu.vector_store %arg8[%swap3A_128, %swap3A_129], %dot_general3A_127 {strides = array<i32>} : memref<4096x1xf32, #tpu.memory_space<vmem>>, vector<4096x1xf32>,
    return
  }
  func.func @transform_0(%arg0: i32) -> (i32, i32) {
    %c0_i32 = arith.constant 0 : i32
    %c0_i32_0 = arith.constant 0 : i32
    return %arg0, %c0_i32 : i32, i32
  }
  func.func @transform_1(%arg0: i32) -> (i32, i32) {
    %c0_i32 = arith.constant 0 : i32
    %c0_i32_0 = arith.constant 0 : i32
    %c0_i32_1 = arith.constant 0 : i32
    return %c0_i32, %c0_i32_0 : i32, i32
  }
  func.func @transform_2(%arg0: i32) -> (i32, i32) {
    %c0_i32 = arith.constant 0 : i32
    %c0_i32_0 = arith.constant 0 : i32
    %c0_i32_1 = arith.constant 0 : i32
    return %c0_i32, %c0_i32_0 : i32, i32
  }
  func.func @transform_3(%arg0: i32) -> (i32, i32) {
    %c0_i32 = arith.constant 0 : i32
    %c0_i32_0 = arith.constant 0 : i32
    %c0_i32_1 = arith.constant 0 : i32
    return %c0_i32, %c0_i32_0 : i32, i32
  }
  func.func @transform_4(%arg0: i32) -> (i32, i32) {
    %c0_i32 = arith.constant 0 : i32
    %c0_i32_0 = arith.constant 0 : i32
    %c0_i32_1 = arith.constant 0 : i32
    return %c0_i32, %c0_i32_0 : i32, i32
  }
  func.func @transform_5(%arg0: i32) -> (i32, i32) {
    %c0_i32 = arith.constant 0 : i32
    %c0_i32_0 = arith.constant 0 : i32
    %c0_i32_1 = arith.constant 0 : i32
    return %c0_i32, %c0_i32_0 : i32, i32
  }
  func.func @transform_6(%arg0: i32) -> (i32, i32) {
    %c0_i32 = arith.constant 0 : i32
    %c0_i32_0 = arith.constant 0 : i32
    return %arg0, %c0_i32 : i32, i32
  }
  func.func @transform_7(%arg0: i32) -> (i32, i32) {
    %c0_i32 = arith.constant 0 : i32
    %c0_i32_0 = arith.constant 0 : i32
    return %arg0, %c0_i32 : i32, i32
  }
}

</mosaic_0001>

<sc_bundles>
// kernel: sparse-core-data-format-call.cloned.1.call-start
scs
called_computation_lowered:
.L_overlay_start_0:
0x0: {  	s2 =	sld [smem:$0x3FD9]  }
0x1: {  	s3 =	sld [smem:$0x3FFE];
	_ =	sdelay $0x1  }
0x2: {  	s1 =	srdreg.scid  }
0x3: {  	s0 =	sand.u32 $0x1, s1  }
0x4: {  	s15 =	sshll.u32 s0, $0xA;
	s2 =	sadd.s32 s3, s2  }
0x5: {  	s2 =	sadd.s32 s2, s15  }
0x6: {  	[smem:$0x3FB9] =	sst s2  }
0x7: {  	_ = 	snop  }
0x8: {  	s2 =	sld [smem:$0x3FD0];
	_ =	sdelay $0x2  }
0x9: {  	s16 =	simm.s32 $0xA;
	s4 =	simm.s32 $0x10  }
0xa: {  	[smem:s4], [sflag:s16] =	dma.local [hbm:s2], $0x1  }
0xb: {  	_ =	swait.eq [sflag:s16], $0x1  }
0xc: {  	[sflag:s16] =	ssyncset.done $0x0  }
0xd: {  	[sflag:s16] =	ssyncadd.s32 $0xFFFFFFFF  }
0xe: {  	s17 =	sld [smem:$0x10];
	(tm) =	ssettm $0x1  }
0xf: {  	s18 =	sld [smem:$0x3FFB];
	_ =	sdelay $0x3  }
0x10: {  	_ =	strace s18  }
0x11: {  	s3 =	sld [smem:$0x3FFC];
	_ =	sdelay $0x3  }
0x12: {  	_ =	strace s3  }
0x13: {  	s3 =	sld [smem:$0x3FFD];
	_ =	sdelay $0x3  }
0x14: {  	_ =	strace s3  }
0x15: {  	_ =	strace $0x8FFFFFFF  }
0x16: {  	s19 =	sld [smem:$0x3FDB];
	_ =	sdelay $0x1  }
0x17: {  	s20 =	simm.s32 $_scs_section_size  }
0x18: {  	s5 =	simm.s32 $_size__tile_overlayer_lowered;
	s6 =	simm.s32 $_tile_overlayer_lowered  }
0x19: {  	s23 =	simm.s32 $0x1BFF;
	s22 =	sshll.u32 s6, $0x1;
	s3 =	sadd.s32 s20, s19  }
0x1a: {  	s7 =	simm.s32 $0x0;
	s21 =	sshll.u32 s5, $0x1;
	s5 =	sadd.s32 s22, s3  }
0x1b: {  	[timem:s7], [sflag:s23] =	dma.local [hbm:s5], s21  }
0x1c: {  	_ =	swait.ge [sflag:s23], s21  }
0x1d: {  	s4 =	ssub.s32 $0x0, s21;
	[sflag:s23] =	ssyncset.done $0x0  }
0x1e: {  	[sflag:s23] =	ssyncadd.s32 s4;
	_ =	sdelay $0x1  }
0x1f: {  	s24 =	simm.s32 $0x1B8B  }
0x20: {  	_ =	swait.ge [sflag:s24], $0x1  }
0x21: {  	[sflag:s24] =	ssyncset.done $0x0  }
0x22: {  	s26 =	simm.s32 $0x1B8E;
	s25 =	sld [smem:$0x3FFE];
	[sflag:s24] =	ssyncadd.s32 $0xFFFFFFFF  }
0x23: {  	s27 =	simm.s32 $execute0_lowered;
	[smem:$0x3FD2] =	sst s26  }
0x24: {  	s5 =	sshll.u32 s27, $0x1;
	_ =	strace $0x80000046;
	[dreg:$0x1] =	wrdreg $0xFFFFFFFF  }
0x25: {  	s28 =	simm.s32 $_size_execute0_lowered;
	s3 =	sadd.s32 s3, s5;
	[dreg:$0x0] =	wrdreg $0x0  }
0x26: {  	s5 =	sshll.u32 s28, $0x1;
	[dreg:$0x2] =	wrdreg s3  }
0x27: {  	[dreg:$0x3] =	wrdreg s5  }
0x28: {  	[dreg:$0x4] =	wrdreg $0xC0  }
0x29: {  	_ =	task [dreg:s7], $0x5FFFF  }
0x2a: {  	[dreg:$0x1] =	wrdreg $0xFFFFFFFF  }
0x2b: {  	[dreg:$0x0] =	wrdreg $0x60  }
0x2c: {  	[dreg:$0x2] =	wrdreg s25  }
0x2d: {  	[dreg:$0x3] =	wrdreg s17  }
0x2e: {  	[dreg:$0x4] =	wrdreg $0x9  }
0x2f: {  	_ =	task.clear_ibuf [dreg:s7], $0x5FFFF;
	_ =	strace $0x90000046  }
0x30: {  	s29 =	simm.s32 $0x9;
	_ =	strace $0x80000048  }
0x31: {  	_ =	swait.ge [sflag:s29], $0x1  }
0x32: {  	[sflag:s29] =	ssyncadd.s32 $0xFFFFFFFF  }
0x33: {  	_ =	strace $0x90000048  }
0x34: {  	_ =	sfence  }
0x35: {  	s30 =	sld [smem:$0x0];
	_ =	sdelay $0x2  }
0x36: {  	s31 =	sshll.u32 s1, $0xD;
	s1 =	sshrl.u32 s1, $0x2  }
0x37: {  	s3 =	sand.u32 $0x4000, s31;
	s1 =	sadd.s32 s1, s30  }
0x38: {  	s0 =	sor.u32 s3, s0;
	s1 =	sshll.u32 s1, $0x11  }
0x39: {  	s0 =	sor.u32 s1, s0  }
0x3a: {  	s0 =	sadd.s32 $0x8F2B, s0  }
0x3b: {  	[sflag:s0] =	ssyncadd.remote.s32 $0x1  }
0x3c: {  	_ =	sfence.sel $0xFFFF  }
0x3d: {  	[dreg:$0x0] =	wrdreg $0xFFFFFFFF;
	(pc) =	sbr.abs _section_cstart, $3  }
0x3e: {  	[dreg:$0x1] =	wrdreg $0xFFFFFFFF  }
0x3f: {  	_ =	task.clear_ibuf [dreg:s7], $0x2FFFF;
	_ =	strace $0x9FFFFFFF  }
0x40: {  	(tm) =	ssettm $0x7FFFFFFF  }
0x41: {  	_ =	shalt  }
tec
execute0_lowered:
.L_overlay_start_1:
0x0: {  	(tag) =	ssettag $0x1  }
0x1: {  	s8 =	rddreg [dreg:$0x0]  }
0x2: {  	s2 =	rddreg [dreg:$0x1]  }
0x3: {  	s1 =	stileid.u32;
	s4 =	srdreg.scid  }
0x4: {  	s0 =	rddreg [dreg:$0x2];
	_ =	strace $0x80000047;
	s9 =	simm.s32 $0x1  }
0x5: {  	s31 =	simm.s32 $0x2;
	s14 =	simm.s32 $0x0;
	s15 =	simm.s32 $0x0  }
0x6: {  	s13 =	simm.s32 $0x0;
	s3 =	sshll.u32 s1, $0x1;
	s4 =	sshll.u32 s4, $0x7  }
0x7: {  	s4 =	sand.u32 $0x80, s4;
	s5 =	ssub.s32 $0x20, s3;
	s12 =	smov.u32 s3  }
0x8: {  	s6 =	sshrl.u32 s5, $0x5;
	s5 =	sand.u32 $0x1E, s5;
	s7 =	ssub.s32 $0x2000, s4  }
0x9: {  	p0 =	sne.s32 s5, $0x0;
	s30 =	sshrl.u32 s7, $0x7;
	s7 =	sshrl.u32 s7, $0x8  }
.Ltmp0:
0xa: {  	s9 =	simm.s32 @!p0 $0x0;
	s10 =	sand.u32 $0x1, s30;
	(pc) =	sbr.rel .LBB1_1-.Ltmp0, $4  }
0xb: {  	s5 =	simm.s32 $0x1;
	s6 =	sadd.s32 s9, s6;
	s7 =	sadd.s32 s7, s10  }
0xc: {  	s11 =	smov.u32 s4;
	[sflag:s5] =	ssyncpa.u1 $0x0;
	s6 =	smul.u32 s6, s7  }
0xd: {  	p0 =	por $0x0, $0x0;
	[sflag:s31] =	ssyncpa.u1 $0x0;
	s10 =	simm.s32 $0x10000  }
0xe: {  	s7 =	sadd.s32 $0x800000, s8;
	s8 =	sadd.s32 $0x820000, s8;
	s9 =	sadd.s32 $0x1, s6  }
.LBB1_7:
0xf: {  	s16 =	sadd.s32 $0x100, s11  }
0x10: {  	s14 =	sadd.s32 $0x20, s12;
	s18 =	smov.u32 s12;
	p2 =	sgt.s32 s16, $0x1FFF  }
0x11: {  	s18 =	smov.u32 @p2 s14  }
0x12: {  	s16 =	smov.u32 @p2 s4;
	p2 =	sgt.s32 s18, $0x1F  }
0x13: {  	s18 =	smov.u32 @p2 s3;
	p2 =	sne.s32 s13, s9  }
.Ltmp1:
0x14: {  	p1 =	slt.u32 s13, $0x2;
	(pc) =	sbr.rel @!p2 .LBB1_8-.Ltmp1, $4  }
0x15: {  	s17 =	simm.s32 @!p1 $0x2  }
0x16: {  	s15 =	smov.u32 s12;
	p0 =	por !p0, !p0;
	_ =	swait.ge @!p1 [sflag:s17], $0x4000  }
0x17: {  	s14 =	smov.u32 s11;
	[sflag:s17] =	ssyncset.done @!p1 $0x0;
	s11 =	smov.u32 s16  }
0x18: {  	s13 =	sadd.s32 $0x1, s13;
	[sflag:s17] =	ssyncadd.s32 @!p1 $0xFFFFC000;
	s12 =	smov.u32 s18  }
.LBB1_1:
0x19: {  	p1 =	sge.u32 s13, s6  }
0x1a: {  	s16 =	sxor.u32 @!p1 $0xFFFFFFFF, s13;
	s17 =	sshll.u32 @!p1 s12, $0x11  }
0x1b: {  	s18 =	sshll.u32 @!p1 s11, $0x4;
	s20 =	simm.s32 @!p1 $0x40;
	s21 =	simm.s32 @!p1 $0x80  }
0x1c: {  	s16 =	sshll.u32 @!p1 s16, $0xE;
	s18 =	sand.u32 @!p1 $0x1FFF0, s18;
	s19 =	sadd.s32 @!p1 s7, s17  }
0x1d: {  	s17 =	sadd.s32 @!p1 s17, s8;
	s16 =	sand.u32 @!p1 $0x4000, s16;
	s19 =	sadd.s32 @!p1 s18, s19  }
0x1e: {  	[tilespmem:s16], [sflag:$0x1] =	stream.strided.gather @!p1 [hbm4b:s19+s20], $0x2000, s21, s20, $0x38;
	[tilespmem:$0x10100] =	vst v63  }
0x1f: {  	s31 =	sadd.s32 $0xFFFFFFFF, s13;
	s17 =	sadd.s32 @!p1 s18, s17;
	s16 =	sor.u32 @!p1 $0x2000, s16  }
0x20: {  	[tilespmem:s16], [sflag:$0x1] =	stream.strided.gather @!p1 [hbm4b:s17+s20], $0x2000, s21, s20, $0x38;
	[tilespmem:$0x10100] =	vst v63  }
0x21: {  	p1 =	sge.u32 s31, s6  }
.Ltmp2:
0x22: {  	_ = 	snop;
	(pc) =	sbr.rel @p1 .LBB1_7-.Ltmp2, $1  }
0x23: {  	_ =	sdelay $0x3  }
0x24: {  	s16 =	simm.s32 $0x1;
	s18 =	sand.u32 $0x1, s13  }
0x25: {  	_ =	swait.ge [sflag:s5], $0x4000;
	s16 =	simm.s32 @!p0 $0x0;
	s18 =	smul.u32 $0x10200, s18  }
0x26: {  	p2 =	por $0x1, $0x1;
	[sflag:s5] =	ssyncset.done $0x0;
	s17 =	smul.u32 $0x10200, s16  }
0x27: {  	s19 =	sshll.u32 s16, $0x10;
	[sflag:s5] =	ssyncadd.s32 $0xFFFFC000;
	s30 =	sshrl.u32 s18, $0x2  }
0x28: {  	s31 =	sshrl.u32 s19, $0x2;
	s19 =	simm.s32 $0x0;
	s17 =	sshrl.u32 s17, $0x2  }
0x29: {  	s16 =	sor.u32 $0x8000, s30;
	s18 =	sadd.s32 $0x20, s31;
	s17 =	sor.u32 $0x8000, s17  }
.LBB1_3:
0x2a: {  	s20 =	sshll.u32 s19, $0xD  }
0x2b: {  	s20 =	sand.u32 $0x3FFFE000, s20  }
0x2c: {  	s22 =	sadd.s32 s20, s18  }
0x2d: {  	s31 =	smul.u32 $0x8100, s19;
	v3 =	vld [tilespmem:s22+$0x10]  }
0x2e: {  	v1 =	vld [tilespmem:s22+$0xFFFFFFF0]  }
0x2f: {  	s19 =	sshra.s32 s31, $0x2;
	v0 =	vld [tilespmem:s22+$0x0]  }
0x30: {  	s19 =	sadd.s32 s19, s17;
	v2 =	vld [tilespmem:s22+$0xFFFFFFE0]  }
0x31: {  	s20 =	sadd.s32 $0x0, s19  }
0x32: {  	p1 =	por p2, p2;
	s21 =	simm.s32 $0x4;
	s22 =	sadd.s32 $0x40, s22;
	[tilespmem:s20+$0x1830 ss:$0x81] =	vst.msk $0xffff, v3  }
.LBB1_4:
0x33: {  	v3 =	vld [tilespmem:s22+$0x10];
	p2 =	sne.s32 s21, $0x1FC;
	[tilespmem:s20+$0x810 ss:$0x81] =	vst.msk $0xffff, v1;
	s23 =	smov.u32 s21;
	s21 =	sadd.s32 $0x4, s21  }
.Ltmp3:
0x34: {  	v1 =	vld [tilespmem:s22+$0xFFFFFFF0];
	[tilespmem:s20+$0x1020 ss:$0x81] =	vst.msk $0xffff, v0;
	(pc) =	sbr.rel @p2 .LBB1_4-.Ltmp3, $4  }
0x35: {  	v0 =	vld [tilespmem:s22+$0x0];
	[tilespmem:s20+$0x0 ss:$0x81] =	vst.msk $0xffff, v2  }
0x36: {  	s20 =	sshra.s32 s23, $0x2;
	v2 =	vld [tilespmem:s22+$0xFFFFFFE0]  }
0x37: {  	s20 =	sadd.s32 s20, s19  }
0x38: {  	s22 =	sadd.s32 $0x40, s22;
	[tilespmem:s20+$0x1830 ss:$0x81] =	vst.msk $0xffff, v3  }
.Ltmp4:
0x39: {  	(pc) =	sbr.rel @p1 .LBB1_3-.Ltmp4, $4  }
0x3a: {  	_ = 	snop  }
0x3b: {  	[tilespmem:s20+$0x810 ss:$0x81] =	vst.msk $0xffff, v1  }
0x3c: {  	[tilespmem:s20+$0x1020 ss:$0x81] =	vst.msk $0xffff, v0  }
0x3d: {  	s19 =	simm.s32 $0x1;
	p2 =	por $0x0, $0x0;
	[tilespmem:s20+$0x0 ss:$0x81] =	vst.msk $0xffff, v2  }
0x3e: {  	s17 =	sshll.u32 s14, $0x3;
	s18 =	sand.u32 $0x78, s14;
	s15 =	sshll.u32 s15, $0x10  }
.Ltmp5:
0x3f: {  	s30 =	sand.u32 $0xFC00, s14;
	s17 =	sand.u32 $0x1C00, s17;
	(pc) =	sbr.rel .LBB1_7-.Ltmp5, $4  }
0x40: {  	s31 =	sand.u32 $0x7, s14;
	s15 =	sadd.s32 s2, s15;
	s17 =	sor.u32 s18, s17  }
0x41: {  	s14 =	sshll.u32 s31, $0x12;
	s15 =	sadd.s32 s30, s15;
	s17 =	sshrl.u32 s17, $0x3  }
0x42: {  	s14 =	sor.u32 $0x400, s14;
	s15 =	sadd.s32 s17, s15  }
0x43: {  	[hbm4b:s15+s14] =	stream.strided.scatter [tilespmem:s16], [sflag:$0x2], $0x4000, s10, s14, $0x20;
	[tilespmem:$0x10100] =	vst v63  }
.LBB1_8:
0x44: {  	_ =	sfence.sel $0x180000  }
0x45: {  	s2 =	simm.s32 $0x1;
	[bflag:$0x0] =	sbarrier.arrive $0xFFFF  }
0x46: {  	s31 =	simm.s32 $0x2;
	[sflag:s2] =	ssyncpa.u1 $0x1  }
0x47: {  	[sflag:s31] =	ssyncpa.u1 $0x1  }
0x48: {  	p0 =	sne.s32 s1, $0x0;
	_ =	strace $0x90000047  }
0x49: {  	s0 =	sadd.s32 @!p0 $0x100000, s0;
	[bflag:$0x2] =	sbarrier.arrive $0xFFFF  }
0x4a: {  	[sflag:s0] =	ssyncadd.tile.s32 @!p0 $0x1;
	_ =	shalt  }
.Lfunc_end1:
_tile_overlayer_lowered:
.L_overlay_start_2:
0x4b: {  	(tag) =	ssettag $0x2  }
0x4c: {  	s0 =	rddreg [dreg:$0x0];
	s2 =	stileid.u32  }
0x4d: {  	s1 =	rddreg [dreg:$0x1];
	p0 =	sne.s32 s2, $0x0  }
0x4e: {  	s3 =	rddreg [dreg:$0x2];
	[bflag:$0x3] =	sbarrier.arrive $0xFFFF;
	s2 =	simm.s32 @!p0 $0x1C01  }
0x4f: {  	[timem:s3], [sflag:s2] =	dma.local @!p0 [hbm:s0], s1  }
0x50: {  	s0 =	simm.s32 @!p0 $0x1  }
0x51: {  	_ =	swait.ge @!p0 [sflag:s0], s1  }
0x52: {  	s1 =	ssub.s32 @!p0 $0x0, s1;
	[sflag:s0] =	ssyncset.done @!p0 $0x0  }
0x53: {  	[sflag:s0] =	ssyncadd.s32 @!p0 s1  }
0x54: {  	[bflag:$0x3] =	sbarrier.arrive $0xFFFF  }
0x55: {  	_ =	shalt  }

</sc_bundles>
